<compile_context>
chip_gen: v7x
topology: tpu7x:2x2x1
jax: 0.10.2.dev20260603
libtpu: 0.0.44.dev20260713+nightly
codegen_flags: <defaults>
</compile_context>

<pallas_src>
import functools

import jax
import jax.numpy as jnp
from jax import lax
from jax.experimental import pallas as pl
from jax.experimental.pallas import tpu as pltpu
from jax.experimental.pallas import tpu_sc as plsc

_M = 1024
_K = 128
_N = 100000
_TN = 2000
_G = _N // _TN
_SR = 64

_BIG = 3.0e38
_INF = float(jnp.inf)


def _nn_body(a_ref, b_ref, bsq_ref, asq_ref, md_ref, lb_ref,
             ii_ref, smin_ref, starg_ref):
    i = pl.program_id(0)

    @pl.when(i == 0)
    def _init():
        ii_ref[...] = lax.broadcasted_iota(
            jnp.int32, (_TN, _M), 0).astype(jnp.float32)
        smin_ref[pl.ds(_G, _SR - _G), :] = jnp.full(
            (_SR - _G, _M), _INF, jnp.float32)

    dot2 = lax.dot_general(
        b_ref[...], a_ref[...],
        dimension_numbers=(((1,), (1,)), ((), ())),
        preferred_element_type=jnp.float32,
    )
    dis = (asq_ref[...] + bsq_ref[...]) + dot2
    tmin = jnp.min(dis, axis=0, keepdims=True)
    targ = jnp.min(jnp.where(dis == tmin, ii_ref[...], _BIG),
                   axis=0, keepdims=True)
    smin_ref[pl.ds(i, 1), :] = tmin
    starg_ref[pl.ds(i, 1), :] = targ

    @pl.when(i == _G - 1)
    def _fold():
        sm = smin_ref[...]
        md = jnp.min(sm, axis=0, keepdims=True)
        kio = lax.broadcasted_iota(jnp.int32, (_SR, _M), 0).astype(jnp.float32)
        key = jnp.where(sm == md, kio * float(_TN) + starg_ref[...], _BIG)
        md_ref[...] = md
        lb_ref[...] = jnp.min(key, axis=0, keepdims=True).astype(jnp.int32)


def _nn_tc(a, b, bsq, asq):
    return pl.pallas_call(
        _nn_body,
        grid=(_G,),
        in_specs=[
            pl.BlockSpec((_M, _K), lambda i: (0, 0)),
            pl.BlockSpec((_TN, _K), lambda i: (i, 0)),
            pl.BlockSpec((_TN, 1), lambda i: (i, 0)),
            pl.BlockSpec((1, _M), lambda i: (0, 0)),
        ],
        out_specs=[
            pl.BlockSpec((1, _M), lambda i: (0, 0)),
            pl.BlockSpec((1, _M), lambda i: (0, 0)),
        ],
        out_shape=[
            jax.ShapeDtypeStruct((1, _M), jnp.float32),
            jax.ShapeDtypeStruct((1, _M), jnp.int32),
        ],
        scratch_shapes=[
            pltpu.VMEM((_TN, _M), jnp.float32),
            pltpu.VMEM((_SR, _M), jnp.float32),
            pltpu.VMEM((_SR, _M), jnp.float32),
        ],
    )(a, b, bsq, asq)



_NC = 2
_NS = 16
_NW = _NC * _NS
_BPW = _M // _NW
_L = 16


def _sc_body(md_hbm, lb_hbm, r_hbm, out_hbm, idx_v, md_v, rg_v, out_v, sem):
    wid = lax.axis_index("s") * _NC + lax.axis_index("c")
    base = wid * _BPW
    pltpu.sync_copy(lb_hbm.at[pl.ds(base, _BPW)], idx_v)
    pltpu.async_copy(r_hbm.at[idx_v], rg_v, sem).wait()
    pltpu.sync_copy(md_hbm.at[pl.ds(base, _BPW)], md_v)
    for j in range(_BPW // _L):
        sl = pl.ds(j * _L, _L)
        r = rg_v[sl]
        out_v[sl] = md_v[sl] - r * r
    pltpu.sync_copy(out_v, out_hbm.at[pl.ds(base, _BPW)])


@functools.cache
def _sc_score():
    return pl.kernel(
        _sc_body,
        out_type=jax.ShapeDtypeStruct((_M,), jnp.float32),
        mesh=plsc.VectorSubcoreMesh(core_axis_name="c", subcore_axis_name="s"),
        scratch_types=[
            pltpu.VMEM((_BPW,), jnp.int32),
            pltpu.VMEM((_BPW,), jnp.float32),
            pltpu.VMEM((_BPW,), jnp.float32),
            pltpu.VMEM((_BPW,), jnp.float32),
            pltpu.SemaphoreType.DMA,
        ],
    )


def kernel(a, b, R):
    asq = jnp.sum(a ** 2, axis=1)[:, None]
    bsq = jnp.sum(b ** 2, axis=1)
    md2, lb2 = _nn_tc(a * -2.0, b, bsq[:, None], asq.reshape(1, _M))
    md = md2.reshape(_M)
    lb = lb2.reshape(_M)
    scorek = _sc_score()(md, lb, R)
    return (scorek, lb, md)

# --- scband reference (transcript-rebuilt; emitter-appended) ---
"""Pipeline reference for scband-one-class-base-15307263443609 (READ-ONLY COPY).

The authoritative reference and input builder live on the scoring server;
editing this copy changes nothing except your own understanding.
"""

import jax, jax.numpy as jnp
import numpy as np


def setup_inputs(seed: int = 0) -> dict:
    key = jax.random.key(seed)
    k1, k2, k3 = jax.random.split(key, 3)
    a = jax.random.normal(k1, (1024, 128), dtype=jnp.float32)
    b = jax.random.normal(k2, (100000, 128), dtype=jnp.float32)
    R = jax.random.uniform(k3, (100000,), dtype=jnp.float32)
    return {"a": a, "b": b, "R": R}


def reference(a, b, R):
    # cmpDis: squared-euclidean distance matrix via ||a||^2 + ||b||^2 - 2 a b^T
    sq_a = a ** 2
    sum_sqa = jnp.sum(sq_a, axis=1)[:, None]
    sq_b = b ** 2
    sum_sqb = jnp.sum(sq_b, axis=1)[None, :]
    dis = sum_sqa + sum_sqb - 2.0 * (a @ b.T)
    # obtClusterLbs: nearest center (1-NN) per query
    md = jnp.min(dis, axis=1)
    lb = jnp.argmin(dis, axis=1)
    # cmpSkddRDis: per-cluster score = min-dist - R_k^2, vectorized gather of R by label
    scorek = md - R[lb] ** 2
    return (scorek, lb, md)

if __name__ == "__main__":
    import jax
    _d = setup_inputs()
    print(jax.jit(kernel)(*tuple(_d.values())))

</pallas_src>

<mosaic_0001>
#map = affine_map<(d0, d1) -> (0)>
module attributes {stable_mosaic.version = 14 : i64} {
  func.func @_sc_body(%arg0: i32, %arg1: i32, %arg2: memref<1024xf32, #tpu.memory_space<hbm>>, %arg3: memref<1024xi32, #tpu.memory_space<hbm>>, %arg4: memref<100000xf32, #tpu.memory_space<hbm>>, %arg5: memref<1024xf32, #tpu.memory_space<hbm>>, %arg6: memref<32xi32, #tpu.memory_space<vmem>>, %arg7: memref<32xf32, #tpu.memory_space<vmem>>, %arg8: memref<32xf32, #tpu.memory_space<vmem>>, %arg9: memref<32xf32, #tpu.memory_space<vmem>>, %arg10: memref<!tpu.dma_semaphore, #tpu.memory_space<semaphore_mem>>) attributes {dimension_semantics = [#tpu.dimension_semantics<core_parallel>, #tpu.dimension_semantics<subcore_parallel>], iteration_bounds = array<i64: 2, 16>, scalar_prefetch = 0 : i64, scratch_operands = 5 : i64, tpu.core_type = #tpu.core_type<sc_vector_subcore>, window_params = [{transform_indices = #map}, {transform_indices = #map}, {transform_indices = #map}, {transform_indices = #map}]} {
    %mul3A = arith.constant 2 : i32
    %mul3A_0 = arith.muli %arg1, %mul3A : i32
    %add3A = arith.addi %mul3A_0, %arg0 : i32
    %mul3A_1 = arith.constant 32 : i32
    %mul3A_2 = arith.muli %add3A, %mul3A_1 : i32
    "tpu.region"() ({
      %run_scoped3A = tpu.sem_alloc : memref<!tpu.dma_semaphore, #tpu.memory_space<semaphore_mem>>
      %dma_start3A_26 = tpu.memref_slice %arg3[%mul3A_2] : memref<1024xi32, #tpu.memory_space<hbm>> -> memref<32xi32, #tpu.memory_space<hbm>>
      %dma_start3A_27 = tpu.memref_slice %arg3[%mul3A_2] : memref<1024xi32, #tpu.memory_space<hbm>> -> memref<32xi32, #tpu.memory_space<hbm>>
      tpu.enqueue_dma source(%dma_start3A_27 : memref<32xi32, #tpu.memory_space<hbm>>) target(%arg6 : memref<32xi32, #tpu.memory_space<vmem>>) target_semaphore(%run_scoped3A : memref<!tpu.dma_semaphore, #tpu.memory_space<semaphore_mem>>)
      %dma_wait3A_28 = tpu.memref_slice %arg3[%mul3A_2] : memref<1024xi32, #tpu.memory_space<hbm>> -> memref<32xi32, #tpu.memory_space<hbm>>
      %dma_wait3A_29 = tpu.memref_slice %arg3[%mul3A_2] : memref<1024xi32, #tpu.memory_space<hbm>> -> memref<32xi32, #tpu.memory_space<hbm>>
      tpu.wait_dma2 semaphore(%run_scoped3A : memref<!tpu.dma_semaphore, #tpu.memory_space<semaphore_mem>>) src(%dma_wait3A_29 : memref<32xi32, #tpu.memory_space<hbm>>) dst(%arg6 : memref<32xi32, #tpu.memory_space<vmem>>)
      tpu.yield
    }) : () -> ()
    %dma_start3A = arith.constant 0 : i32
    %dma_start3A_3 = tpu.memref_slice %arg4[%dma_start3A] : memref<100000xf32, #tpu.memory_space<hbm>> -> memref<100000xf32, #tpu.memory_space<hbm>>
    tpu.enqueue_indirect_dma source(%dma_start3A_3 : memref<100000xf32, #tpu.memory_space<hbm>>) target(%arg8 : memref<32xf32, #tpu.memory_space<vmem>>) offsets(%arg6 : memref<32xi32, #tpu.memory_space<vmem>>) semaphore(%arg10 : memref<!tpu.dma_semaphore, #tpu.memory_space<semaphore_mem>>)
    %dma_wait3A = arith.constant 0 : i32
    %dma_wait3A_4 = tpu.memref_slice %arg4[%dma_wait3A] : memref<100000xf32, #tpu.memory_space<hbm>> -> memref<100000xf32, #tpu.memory_space<hbm>>
    tpu.wait_indirect_dma semaphore(%arg10 : memref<!tpu.dma_semaphore, #tpu.memory_space<semaphore_mem>>) src(%dma_wait3A_4 : memref<100000xf32, #tpu.memory_space<hbm>>) dst(%arg8 : memref<32xf32, #tpu.memory_space<vmem>>)
    "tpu.region"() ({
      %run_scoped3A = tpu.sem_alloc : memref<!tpu.dma_semaphore, #tpu.memory_space<semaphore_mem>>
      %dma_start3A_26 = tpu.memref_slice %arg2[%mul3A_2] : memref<1024xf32, #tpu.memory_space<hbm>> -> memref<32xf32, #tpu.memory_space<hbm>>
      %dma_start3A_27 = tpu.memref_slice %arg2[%mul3A_2] : memref<1024xf32, #tpu.memory_space<hbm>> -> memref<32xf32, #tpu.memory_space<hbm>>
      tpu.enqueue_dma source(%dma_start3A_27 : memref<32xf32, #tpu.memory_space<hbm>>) target(%arg7 : memref<32xf32, #tpu.memory_space<vmem>>) target_semaphore(%run_scoped3A : memref<!tpu.dma_semaphore, #tpu.memory_space<semaphore_mem>>)
      %dma_wait3A_28 = tpu.memref_slice %arg2[%mul3A_2] : memref<1024xf32, #tpu.memory_space<hbm>> -> memref<32xf32, #tpu.memory_space<hbm>>
      %dma_wait3A_29 = tpu.memref_slice %arg2[%mul3A_2] : memref<1024xf32, #tpu.memory_space<hbm>> -> memref<32xf32, #tpu.memory_space<hbm>>
      tpu.wait_dma2 semaphore(%run_scoped3A : memref<!tpu.dma_semaphore, #tpu.memory_space<semaphore_mem>>) src(%dma_wait3A_29 : memref<32xf32, #tpu.memory_space<hbm>>) dst(%arg7 : memref<32xf32, #tpu.memory_space<vmem>>)
      tpu.yield
    }) : () -> ()
    %get3A = arith.constant 0 : index
    %get3A_5 = tpu.vector_load %arg8[%get3A] {strides = array<i32>} : memref<32xf32, #tpu.memory_space<vmem>>, vector<16xf32>,
    %get3A_6 = vector.shape_cast %get3A_5 : vector<16xf32> to vector<16xf32>
    %get3A_7 = arith.constant 0 : index
    %get3A_8 = tpu.vector_load %arg7[%get3A_7] {strides = array<i32>} : memref<32xf32, #tpu.memory_space<vmem>>, vector<16xf32>,
    %get3A_9 = vector.shape_cast %get3A_8 : vector<16xf32> to vector<16xf32>
    %mul3A_10 = arith.mulf %get3A_6, %get3A_6 : vector<16xf32>
    %sub3A = arith.subf %get3A_9, %mul3A_10 : vector<16xf32>
    %swap3A = arith.constant 0 : index
    %swap3A_11 = tpu.vector_load %arg9[%swap3A] {strides = array<i32>} : memref<32xf32, #tpu.memory_space<vmem>>, vector<16xf32>,
    %swap3A_12 = vector.shape_cast %swap3A_11 : vector<16xf32> to vector<16xf32>
    %swap3A_13 = vector.shape_cast %sub3A : vector<16xf32> to vector<16xf32>
    tpu.vector_store %arg9[%swap3A], %swap3A_13 {strides = array<i32>} : memref<32xf32, #tpu.memory_space<vmem>>, vector<16xf32>,
    %get3A_14 = arith.constant 16 : index
    %get3A_15 = tpu.vector_load %arg8[%get3A_14] {strides = array<i32>} : memref<32xf32, #tpu.memory_space<vmem>>, vector<16xf32>,
    %get3A_16 = vector.shape_cast %get3A_15 : vector<16xf32> to vector<16xf32>
    %get3A_17 = arith.constant 16 : index
    %get3A_18 = tpu.vector_load %arg7[%get3A_17] {strides = array<i32>} : memref<32xf32, #tpu.memory_space<vmem>>, vector<16xf32>,
    %get3A_19 = vector.shape_cast %get3A_18 : vector<16xf32> to vector<16xf32>
    %mul3A_20 = arith.mulf %get3A_16, %get3A_16 : vector<16xf32>
    %sub3A_21 = arith.subf %get3A_19, %mul3A_20 : vector<16xf32>
    %swap3A_22 = arith.constant 16 : index
    %swap3A_23 = tpu.vector_load %arg9[%swap3A_22] {strides = array<i32>} : memref<32xf32, #tpu.memory_space<vmem>>, vector<16xf32>,
    %swap3A_24 = vector.shape_cast %swap3A_23 : vector<16xf32> to vector<16xf32>
    %swap3A_25 = vector.shape_cast %sub3A_21 : vector<16xf32> to vector<16xf32>
    tpu.vector_store %arg9[%swap3A_22], %swap3A_25 {strides = array<i32>} : memref<32xf32, #tpu.memory_space<vmem>>, vector<16xf32>,
    "tpu.region"() ({
      %run_scoped3A = tpu.sem_alloc : memref<!tpu.dma_semaphore, #tpu.memory_space<semaphore_mem>>
      %dma_start3A_26 = tpu.memref_slice %arg5[%mul3A_2] : memref<1024xf32, #tpu.memory_space<hbm>> -> memref<32xf32, #tpu.memory_space<hbm>>
      %dma_start3A_27 = tpu.memref_slice %arg5[%mul3A_2] : memref<1024xf32, #tpu.memory_space<hbm>> -> memref<32xf32, #tpu.memory_space<hbm>>
      tpu.enqueue_dma source(%arg9 : memref<32xf32, #tpu.memory_space<vmem>>) target(%dma_start3A_27 : memref<32xf32, #tpu.memory_space<hbm>>) target_semaphore(%run_scoped3A : memref<!tpu.dma_semaphore, #tpu.memory_space<semaphore_mem>>)
      %dma_wait3A_28 = tpu.memref_slice %arg5[%mul3A_2] : memref<1024xf32, #tpu.memory_space<hbm>> -> memref<32xf32, #tpu.memory_space<hbm>>
      %dma_wait3A_29 = tpu.memref_slice %arg5[%mul3A_2] : memref<1024xf32, #tpu.memory_space<hbm>> -> memref<32xf32, #tpu.memory_space<hbm>>
      tpu.wait_dma2 semaphore(%run_scoped3A : memref<!tpu.dma_semaphore, #tpu.memory_space<semaphore_mem>>) src(%arg9 : memref<32xf32, #tpu.memory_space<vmem>>) dst(%dma_wait3A_29 : memref<32xf32, #tpu.memory_space<hbm>>)
      tpu.yield
    }) : () -> ()
    return
  }
}

module attributes {stable_mosaic.version = 14 : i64} {
  func.func @_nn_body(%arg0: i32, %arg1: memref<1024x128xf32, #tpu.memory_space<vmem>>, %arg2: memref<2000x128xf32, #tpu.memory_space<vmem>>, %arg3: memref<2000x1xf32, #tpu.memory_space<vmem>>, %arg4: memref<1x1024xf32, #tpu.memory_space<vmem>>, %arg5: memref<1x1024xf32, #tpu.memory_space<vmem>>, %arg6: memref<1x1024xi32, #tpu.memory_space<vmem>>, %arg7: memref<2000x1024xf32, #tpu.memory_space<vmem>>, %arg8: memref<64x1024xf32, #tpu.memory_space<vmem>>, %arg9: memref<64x1024xf32, #tpu.memory_space<vmem>>) attributes {dimension_semantics = [#tpu.dimension_semantics<arbitrary>], iteration_bounds = array<i64: 50>, scalar_prefetch = 0 : i64, scratch_operands = 3 : i64, tpu.core_type = #tpu.core_type<tc>, window_params = [{pipeline_mode = #tpu.pipeline_mode<synchronous>, transform_indices = @transform_0, window_bounds = array<i64: 1024, 128>}, {transform_indices = @transform_1, window_bounds = array<i64: 2000, 128>}, {transform_indices = @transform_2, window_bounds = array<i64: 2000, 1>}, {pipeline_mode = #tpu.pipeline_mode<synchronous>, transform_indices = @transform_3, window_bounds = array<i64: 1, 1024>}, {pipeline_mode = #tpu.pipeline_mode<synchronous>, transform_indices = @transform_4, window_bounds = array<i64: 1, 1024>}, {pipeline_mode = #tpu.pipeline_mode<synchronous>, transform_indices = @transform_5, window_bounds = array<i64: 1, 1024>}]} {
    %eq3A = arith.constant 0 : i32
    %eq3A_0 = arith.cmpi eq, %arg0, %eq3A : i32
    %convert_element_type3A = arith.extui %eq3A_0 : i1 to i32
    %cond3A = arith.constant 0 : i32
    %cond3A_1 = arith.cmpi ne, %convert_element_type3A, %cond3A : i32
    scf.if %cond3A_1 {
      %iota3A = tpu.iota {dimensions = array<i32: 0>} : vector<2000x1024xi32>
      %convert_element_type3A_37 = arith.sitofp %iota3A : vector<2000x1024xi32> to vector<2000x1024xf32>
      %swap3A_38 = arith.constant 0 : index
      %swap3A_39 = arith.constant 0 : index
      %swap3A_40 = vector.load %arg7[%swap3A_38, %swap3A_39] : memref<2000x1024xf32, #tpu.memory_space<vmem>>, vector<2000x1024xf32>
      tpu.vector_store %arg7[%swap3A_38, %swap3A_39], %convert_element_type3A_37 {strides = array<i32>} : memref<2000x1024xf32, #tpu.memory_space<vmem>>, vector<2000x1024xf32>,
      %broadcast_in_dim3A_41 = arith.constant 0x7F800000 : f32
      %broadcast_in_dim3A_42 = vector.broadcast %broadcast_in_dim3A_41 : f32 to vector<14x1024xf32>
      %swap3A_43 = arith.constant 50 : index
      %swap3A_44 = arith.constant 0 : index
      %swap3A_45 = vector.load %arg8[%swap3A_43, %swap3A_44] : memref<64x1024xf32, #tpu.memory_space<vmem>>, vector<14x1024xf32>
      tpu.vector_store %arg8[%swap3A_43, %swap3A_44], %broadcast_in_dim3A_42 {strides = array<i32>} : memref<64x1024xf32, #tpu.memory_space<vmem>>, vector<14x1024xf32>,
    } else {
    }
    %get3A = arith.constant 0 : index
    %get3A_2 = arith.constant 0 : index
    %get3A_3 = vector.load %arg2[%get3A, %get3A_2] : memref<2000x128xf32, #tpu.memory_space<vmem>>, vector<2000x128xf32>
    %get3A_4 = arith.constant 0 : index
    %get3A_5 = arith.constant 0 : index
    %get3A_6 = vector.load %arg1[%get3A_4, %get3A_5] : memref<1024x128xf32, #tpu.memory_space<vmem>>, vector<1024x128xf32>
    %dot_general3A = arith.constant dense<0.000000e+00> : vector<2000x1024xf32>
    %dot_general3A_7 = tpu.matmul %get3A_3, %get3A_6, %dot_general3A {dimension_numbers = #tpu.dot_dimension_numbers<[1], [1], [0], [0], [0, 0, 1, 0], [], []>, transpose_lhs_hint = false} : vector<2000x128xf32>, vector<1024x128xf32>, vector<2000x1024xf32> -> vector<2000x1024xf32>
    %get3A_8 = arith.constant 0 : index
    %get3A_9 = arith.constant 0 : index
    %get3A_10 = vector.load %arg4[%get3A_8, %get3A_9] : memref<1x1024xf32, #tpu.memory_space<vmem>>, vector<1x1024xf32>
    %get3A_11 = arith.constant 0 : index
    %get3A_12 = arith.constant 0 : index
    %get3A_13 = vector.load %arg3[%get3A_11, %get3A_12] : memref<2000x1xf32, #tpu.memory_space<vmem>>, vector<2000x1xf32>
    %add3A = vector.broadcast %get3A_10 : vector<1x1024xf32> to vector<2000x1024xf32>
    %add3A_14 = vector.broadcast %get3A_13 : vector<2000x1xf32> to vector<2000x1024xf32>
    %add3A_15 = arith.addf %add3A, %add3A_14 : vector<2000x1024xf32>
    %add3A_16 = arith.addf %add3A_15, %dot_general3A_7 : vector<2000x1024xf32>
    %reduce_min3A = arith.constant dense<0x7F800000> : vector<1024xf32>
    %reduce_min3A_17 = vector.multi_reduction <minimumf>, %add3A_16, %reduce_min3A [0] : vector<2000x1024xf32> to vector<1024xf32>
    %broadcast_in_dim3A = vector.shape_cast %reduce_min3A_17 : vector<1024xf32> to vector<1x1024xf32>
    %eq3A_18 = vector.broadcast %broadcast_in_dim3A : vector<1x1024xf32> to vector<2000x1024xf32>
    %eq3A_19 = arith.cmpf oeq, %add3A_16, %eq3A_18 : vector<2000x1024xf32>
    %get3A_20 = arith.constant 0 : index
    %get3A_21 = arith.constant 0 : index
    %get3A_22 = vector.load %arg7[%get3A_20, %get3A_21] : memref<2000x1024xf32, #tpu.memory_space<vmem>>, vector<2000x1024xf32>
    %jit3A = arith.constant 3.000000e+38 : f32
    %broadcast_in_dim3A_23 = vector.broadcast %jit3A : f32 to vector<2000x1024xf32>
    %select_n3A = arith.select %eq3A_19, %get3A_22, %broadcast_in_dim3A_23 : vector<2000x1024xi1>, vector<2000x1024xf32>
    %reduce_min3A_24 = arith.constant dense<0x7F800000> : vector<1024xf32>
    %reduce_min3A_25 = vector.multi_reduction <minimumf>, %select_n3A, %reduce_min3A_24 [0] : vector<2000x1024xf32> to vector<1024xf32>
    %broadcast_in_dim3A_26 = vector.shape_cast %reduce_min3A_25 : vector<1024xf32> to vector<1x1024xf32>
    %swap3A = arith.index_cast %arg0 : i32 to index
    %swap3A_27 = arith.constant 0 : index
    %swap3A_28 = vector.load %arg8[%swap3A, %swap3A_27] : memref<64x1024xf32, #tpu.memory_space<vmem>>, vector<1x1024xf32>
    tpu.vector_store %arg8[%swap3A, %swap3A_27], %broadcast_in_dim3A {strides = array<i32>} : memref<64x1024xf32, #tpu.memory_space<vmem>>, vector<1x1024xf32>,
    %swap3A_29 = arith.index_cast %arg0 : i32 to index
    %swap3A_30 = arith.constant 0 : index
    %swap3A_31 = vector.load %arg9[%swap3A_29, %swap3A_30] : memref<64x1024xf32, #tpu.memory_space<vmem>>, vector<1x1024xf32>
    tpu.vector_store %arg9[%swap3A_29, %swap3A_30], %broadcast_in_dim3A_26 {strides = array<i32>} : memref<64x1024xf32, #tpu.memory_space<vmem>>, vector<1x1024xf32>,
    %eq3A_32 = arith.constant 49 : i32
    %eq3A_33 = arith.cmpi eq, %arg0, %eq3A_32 : i32
    %convert_element_type3A_34 = arith.extui %eq3A_33 : i1 to i32
    %cond3A_35 = arith.constant 0 : i32
    %cond3A_36 = arith.cmpi ne, %convert_element_type3A_34, %cond3A_35 : i32
    scf.if %cond3A_36 {
      %get3A_37 = arith.constant 0 : index
      %get3A_38 = arith.constant 0 : index
      %get3A_39 = vector.load %arg8[%get3A_37, %get3A_38] : memref<64x1024xf32, #tpu.memory_space<vmem>>, vector<64x1024xf32>
      %reduce_min3A_40 = arith.constant dense<0x7F800000> : vector<1024xf32>
      %reduce_min3A_41 = vector.multi_reduction <minimumf>, %get3A_39, %reduce_min3A_40 [0] : vector<64x1024xf32> to vector<1024xf32>
      %broadcast_in_dim3A_42 = vector.shape_cast %reduce_min3A_41 : vector<1024xf32> to vector<1x1024xf32>
      %iota3A = tpu.iota {dimensions = array<i32: 0>} : vector<64x1024xi32>
      %convert_element_type3A_43 = arith.sitofp %iota3A : vector<64x1024xi32> to vector<64x1024xf32>
      %eq3A_44 = vector.broadcast %broadcast_in_dim3A_42 : vector<1x1024xf32> to vector<64x1024xf32>
      %eq3A_45 = arith.cmpf oeq, %get3A_39, %eq3A_44 : vector<64x1024xf32>
      %mul3A = arith.constant 2.000000e+03 : f32
      %mul3A_46 = vector.broadcast %mul3A : f32 to vector<64x1024xf32>
      %mul3A_47 = arith.mulf %convert_element_type3A_43, %mul3A_46 : vector<64x1024xf32>
      %get3A_48 = arith.constant 0 : index
      %get3A_49 = arith.constant 0 : index
      %get3A_50 = vector.load %arg9[%get3A_48, %get3A_49] : memref<64x1024xf32, #tpu.memory_space<vmem>>, vector<64x1024xf32>
      %add3A_51 = arith.addf %mul3A_47, %get3A_50 : vector<64x1024xf32>
      %jit3A_52 = arith.constant 3.000000e+38 : f32
      %broadcast_in_dim3A_53 = vector.broadcast %jit3A_52 : f32 to vector<64x1024xf32>
      %select_n3A_54 = arith.select %eq3A_45, %add3A_51, %broadcast_in_dim3A_53 : vector<64x1024xi1>, vector<64x1024xf32>
      %swap3A_55 = arith.constant 0 : index
      %swap3A_56 = arith.constant 0 : index
      %swap3A_57 = vector.load %arg5[%swap3A_55, %swap3A_56] : memref<1x1024xf32, #tpu.memory_space<vmem>>, vector<1x1024xf32>
      tpu.vector_store %arg5[%swap3A_55, %swap3A_56], %broadcast_in_dim3A_42 {strides = array<i32>} : memref<1x1024xf32, #tpu.memory_space<vmem>>, vector<1x1024xf32>,
      %reduce_min3A_58 = arith.constant dense<0x7F800000> : vector<1024xf32>
      %reduce_min3A_59 = vector.multi_reduction <minimumf>, %select_n3A_54, %reduce_min3A_58 [0] : vector<64x1024xf32> to vector<1024xf32>
      %broadcast_in_dim3A_60 = vector.shape_cast %reduce_min3A_59 : vector<1024xf32> to vector<1x1024xf32>
      %convert_element_type3A_61 = arith.fptosi %broadcast_in_dim3A_60 : vector<1x1024xf32> to vector<1x1024xi32>
      %swap3A_62 = arith.constant 0 : index
      %swap3A_63 = arith.constant 0 : index
      %swap3A_64 = vector.load %arg6[%swap3A_62, %swap3A_63] : memref<1x1024xi32, #tpu.memory_space<vmem>>, vector<1x1024xi32>
      tpu.vector_store %arg6[%swap3A_62, %swap3A_63], %convert_element_type3A_61 {strides = array<i32>} : memref<1x1024xi32, #tpu.memory_space<vmem>>, vector<1x1024xi32>,
    } else {
    }
    return
  }
  func.func @transform_0(%arg0: i32) -> (i32, i32) {
    %c0_i32 = arith.constant 0 : i32
    %c0_i32_0 = arith.constant 0 : i32
    %c0_i32_1 = arith.constant 0 : i32
    return %c0_i32, %c0_i32_0 : i32, i32
  }
  func.func @transform_1(%arg0: i32) -> (i32, i32) {
    %c0_i32 = arith.constant 0 : i32
    %c0_i32_0 = arith.constant 0 : i32
    return %arg0, %c0_i32 : i32, i32
  }
  func.func @transform_2(%arg0: i32) -> (i32, i32) {
    %c0_i32 = arith.constant 0 : i32
    %c0_i32_0 = arith.constant 0 : i32
    return %arg0, %c0_i32 : i32, i32
  }
  func.func @transform_3(%arg0: i32) -> (i32, i32) {
    %c0_i32 = arith.constant 0 : i32
    %c0_i32_0 = arith.constant 0 : i32
    %c0_i32_1 = arith.constant 0 : i32
    return %c0_i32, %c0_i32_0 : i32, i32
  }
  func.func @transform_4(%arg0: i32) -> (i32, i32) {
    %c0_i32 = arith.constant 0 : i32
    %c0_i32_0 = arith.constant 0 : i32
    %c0_i32_1 = arith.constant 0 : i32
    return %c0_i32, %c0_i32_0 : i32, i32
  }
  func.func @transform_5(%arg0: i32) -> (i32, i32) {
    %c0_i32 = arith.constant 0 : i32
    %c0_i32_0 = arith.constant 0 : i32
    %c0_i32_1 = arith.constant 0 : i32
    return %c0_i32, %c0_i32_0 : i32, i32
  }
}

</mosaic_0001>

<sc_bundles>
// kernel: kernel.4.cloned.1.call-start
scs
__scs_entry_jumppad:
0x0: {  	(pc) =	sbr.rel $0x88, $3  }
0x1: {  	(tag) =	ssettag $0x0;
	lr =	simm.s32 $0x1  }
0x2: {  	[smem:$0x3F9E] =	sst lr;
	_ =	strace $0xD0000000  }
0x3: {  	_ = 	snop  }
0x4: {  	_ = 	snop  }
0x5: {  	_ = 	snop  }
0x6: {  	_ = 	snop  }
0x7: {  	_ = 	snop  }
__scs_overlays_trampoline_lowered:
0x8: {  	[smem:$0x3FAD] =	sst s0  }
0x9: {  	[smem:$0x3FAE] =	sst s1  }
0xa: {  	[smem:$0x3FAF] =	sst s2  }
0xb: {  	[smem:$0x3FB0] =	sst s3  }
0xc: {  	[smem:$0x3FB1] =	sst s4  }
0xd: {  	[smem:$0x3FB2] =	sst s5  }
0xe: {  	[smem:$0x3FB3] =	sst s6  }
0xf: {  	[smem:$0x3FB4] =	sst s7  }
0x10: {  	[smem:$0x3FB5] =	sst s8  }
0x11: {  	[smem:$0x3FB6] =	sst s9;
	s0 =	simm.s32 @!p0 $0x0  }
0x12: {  	s1 =	sld [smem:$0x3F9C];
	s0 =	simm.s32 @p0 $0x1  }
0x13: {  	[smem:$0x3FB7] =	sst s0;
	s0 =	simm.s32 @!p1 $0x0  }
0x14: {  	s2 =	sld [smem:$0x3F9B];
	s0 =	simm.s32 @p1 $0x1  }
0x15: {  	[smem:$0x3FB8] =	sst s0;
	s0 =	simm.s32 @!p2 $0x0  }
0x16: {  	s3 =	sld [smem:$0x3FDB];
	s0 =	simm.s32 @p2 $0x1  }
0x17: {  	s4 =	simm.s32 $0x1BF5;
	[smem:$0x3FBA] =	sst s0  }
0x18: {  	s0 =	sld [smem:$0x3F9D];
	_ =	swait.ge [sflag:s4], $0x0  }
0x19: {  	s7 =	sld [smem:$0x3F9E]  }
0x1a: {  	s8 =	sadd.s32 $0xFFFFE003, lr  }
0x1b: {  	s9 =	sadd.s32 $0xFFFFFEF7, lr;
	s5 =	simm.s32 $0xFFFFFFFF;
	p2 =	slt.u32 s8, $0xFFFFF086  }
0x1c: {  	p1 =	slt.u32 s9, $0xF7A;
	s5 =	simm.s32 @!p2 $0x0  }
0x1d: {  	s5 =	simm.s32 @p1 $0x1;
	p0 =	seq.s32 s7, s2  }
0x1e: {  	s7 =	smul.u32 @!p0 $0xF7A, s2;
	p2 =	seq.s32 @!p0 s5, $0x0  }
0x1f: {  	s9 =	smul.u32 $0xF7A, s1;
	s8 =	simm.s32 @!p0 $0x1BF5;
	p2 =	por !p2, p0  }
0x20: {  	[sflag:s8] =	ssyncset.s32 @!p0 $0xFFFFF086;
	s6 =	sadd.s32 @!p0 s3, s7;
	s7 =	simm.s32 @!p0 $0x108  }
0x21: {  	s3 =	sadd.s32 s3, s9;
	s6 =	sadd.s32 @!p0 $0x88, s6;
	s7 =	simm.s32 @p2 $0x1082  }
0x22: {  	[simem:s7], [sflag:s8] =	dma.local @!p0 [hbm:s6], $0xF7A  }
0x23: {  	s9 =	sor.u32 $0xD0000000, s2;
	s6 =	simm.s32 $0x108;
	_ =	swait.ge @!p0 [sflag:s8], $0x0  }
0x24: {  	s3 =	sadd.s32 $0x88, s3;
	s6 =	simm.s32 @!p1 $0x1082;
	[sflag:s4] =	ssyncset.s32 $0xFFFFF086  }
0x25: {  	[simem:s6], [sflag:s4] =	dma.local [hbm:s3], $0xF7A  }
0x26: {  	[smem:$0x3F9E] =	sst s1;
	(tag) =	ssettag s2;
	_ =	strace s9  }
0x27: {  	s1 =	sld [smem:$0x3FAE]  }
0x28: {  	s2 =	sld [smem:$0x3FAF]  }
0x29: {  	s4 =	sld [smem:$0x3FB1]  }
0x2a: {  	p0 =	seq.s32 s5, $0x0;
	s5 =	sld [smem:$0x3FB2]  }
0x2b: {  	s6 =	sld [smem:$0x3FB3]  }
0x2c: {  	s7 =	sld [smem:$0x3FB4]  }
0x2d: {  	s3 =	simm.s32 $0x108;
	s8 =	sld [smem:$0x3FB5]  }
0x2e: {  	s3 =	simm.s32 @!p0 $0x1082;
	s9 =	sld [smem:$0x3FB6]  }
0x2f: {  	lr =	sadd.s32 s0, s3;
	s0 =	sld [smem:$0x3FAD]  }
0x30: {  	s3 =	sld [smem:$0x3FB0]  }
0x31: {  	[smem:$0x3FB9] =	sst s10  }
0x32: {  	s10 =	sld [smem:$0x3FB7];
	_ =	sdelay $0x3  }
0x33: {  	p0 =	seq.s32 s10, $0x1;
	s10 =	sld [smem:$0x3FB9];
	_ =	sdelay $0x3  }
0x34: {  	[smem:$0x3FB9] =	sst s10  }
0x35: {  	s10 =	sld [smem:$0x3FB8];
	_ =	sdelay $0x3  }
0x36: {  	p1 =	seq.s32 s10, $0x1;
	s10 =	sld [smem:$0x3FB9];
	_ =	sdelay $0x3  }
0x37: {  	[smem:$0x3FB9] =	sst s10  }
0x38: {  	s10 =	sld [smem:$0x3FBA]  }
0x39: {  	_ = 	snop;
	(pc) =	sbr.ind lr, $3  }
0x3a: {  	_ = 	snop  }
0x3b: {  	_ = 	snop  }
0x3c: {  	p2 =	seq.s32 s10, $0x1;
	s10 =	sld [smem:$0x3FB9]  }
0x3d: {  	_ =	shalt  }
0x3e: {  	_ =	shalt  }
0x3f: {  	_ =	shalt  }
0x40: {  	_ =	shalt  }
0x41: {  	_ =	shalt  }
0x42: {  	_ =	shalt  }
0x43: {  	_ =	shalt  }
0x44: {  	_ =	shalt  }
0x45: {  	_ =	shalt  }
0x46: {  	_ =	shalt  }
0x47: {  	_ =	shalt  }
0x48: {  	_ =	shalt  }
0x49: {  	_ =	shalt  }
0x4a: {  	_ =	shalt  }
0x4b: {  	_ =	shalt  }
0x4c: {  	_ =	shalt  }
0x4d: {  	_ =	shalt  }
0x4e: {  	_ =	shalt  }
0x4f: {  	_ =	shalt  }
0x50: {  	_ =	shalt  }
0x51: {  	_ =	shalt  }
0x52: {  	_ =	shalt  }
0x53: {  	_ =	shalt  }
0x54: {  	_ =	shalt  }
0x55: {  	_ =	shalt  }
0x56: {  	_ =	shalt  }
0x57: {  	_ =	shalt  }
0x58: {  	_ =	shalt  }
0x59: {  	_ =	shalt  }
0x5a: {  	_ =	shalt  }
0x5b: {  	_ =	shalt  }
0x5c: {  	_ =	shalt  }
0x5d: {  	_ =	shalt  }
0x5e: {  	_ =	shalt  }
0x5f: {  	_ =	shalt  }
0x60: {  	_ =	shalt  }
0x61: {  	_ =	shalt  }
0x62: {  	_ =	shalt  }
0x63: {  	_ =	shalt  }
0x64: {  	_ =	shalt  }
0x65: {  	_ =	shalt  }
0x66: {  	_ =	shalt  }
0x67: {  	_ =	shalt  }
0x68: {  	_ =	shalt  }
0x69: {  	_ =	shalt  }
0x6a: {  	_ =	shalt  }
0x6b: {  	_ =	shalt  }
0x6c: {  	_ =	shalt  }
0x6d: {  	_ =	shalt  }
0x6e: {  	_ =	shalt  }
0x6f: {  	_ =	shalt  }
0x70: {  	_ =	shalt  }
0x71: {  	_ =	shalt  }
0x72: {  	_ =	shalt  }
0x73: {  	_ =	shalt  }
0x74: {  	_ =	shalt  }
0x75: {  	_ =	shalt  }
0x76: {  	_ =	shalt  }
0x77: {  	_ =	shalt  }
0x78: {  	_ =	shalt  }
0x79: {  	_ =	shalt  }
0x7a: {  	_ =	shalt  }
0x7b: {  	_ =	shalt  }
0x7c: {  	_ =	shalt  }
0x7d: {  	_ =	shalt  }
0x7e: {  	_ =	shalt  }
0x7f: {  	_ =	shalt  }
0x80: {  	_ =	shalt  }
0x81: {  	_ =	shalt  }
0x82: {  	_ =	shalt  }
0x83: {  	_ =	shalt  }
0x84: {  	_ =	shalt  }
0x85: {  	_ =	shalt  }
0x86: {  	_ =	shalt  }
0x87: {  	_ =	shalt  }
.Lfunc_end0:
.L_simem_size_0:
called_computation_lowered:
.L_overlay_start_0:
0x88: {  	s2 =	sld [smem:$0x3FD9]  }
0x89: {  	s3 =	sld [smem:$0x3FFE];
	_ =	sdelay $0x1  }
0x8a: {  	s1 =	srdreg.scid  }
0x8b: {  	s0 =	sand.u32 $0x1, s1  }
0x8c: {  	s15 =	sshll.u32 s0, $0xA;
	s2 =	sadd.s32 s3, s2  }
0x8d: {  	s2 =	sadd.s32 s2, s15  }
0x8e: {  	[smem:$0x3FC5] =	sst s2  }
0x8f: {  	_ = 	snop  }
0x90: {  	s2 =	sld [smem:$0x3FD0];
	_ =	sdelay $0x2  }
0x91: {  	s4 =	simm.s32 $0xA;
	s5 =	simm.s32 $0x10;
	s16 =	sld [smem:$0x3FC7]  }
0x92: {  	[smem:s5], [sflag:s4] =	dma.local [hbm:s2], $0x1  }
0x93: {  	_ =	swait.eq [sflag:s4], $0x1  }
0x94: {  	s17 =	sld [smem:$0x10];
	[sflag:s4] =	ssyncset.done $0x0  }
0x95: {  	s18 =	sld [smem:$0x11];
	[sflag:s4] =	ssyncadd.s32 $0xFFFFFFFF  }
0x96: {  	s19 =	sld [smem:$0x12];
	(tm) =	ssettm $0x1  }
0x97: {  	s6 =	sld [smem:$0x3FFB];
	_ =	sdelay $0x3  }
0x98: {  	_ =	strace s6  }
0x99: {  	s6 =	sld [smem:$0x3FFC];
	_ =	sdelay $0x3  }
0x9a: {  	_ =	strace s6  }
0x9b: {  	s6 =	sld [smem:$0x3FFD];
	_ =	sdelay $0x3  }
0x9c: {  	_ =	strace s6  }
0x9d: {  	_ =	strace $0x8FFFFFFF  }
0x9e: {  	s20 =	sld [smem:$0x3FDB];
	_ =	sdelay $0x1  }
0x9f: {  	s7 =	simm.s32 $_scs_section_size  }
0xa0: {  	s8 =	simm.s32 $_size__tile_overlayer_lowered;
	s9 =	simm.s32 $_tile_overlayer_lowered  }
0xa1: {  	s23 =	simm.s32 $0x1BFF;
	s22 =	sshll.u32 s9, $0x1;
	s6 =	sadd.s32 s7, s20  }
0xa2: {  	s10 =	simm.s32 $0x0;
	s21 =	sshll.u32 s8, $0x1;
	s8 =	sadd.s32 s22, s6  }
0xa3: {  	[timem:s10], [sflag:s23] =	dma.local [hbm:s8], s21  }
0xa4: {  	_ =	swait.ge [sflag:s23], s21  }
0xa5: {  	s7 =	ssub.s32 $0x0, s21;
	[sflag:s23] =	ssyncset.done $0x0  }
0xa6: {  	[sflag:s23] =	ssyncadd.s32 s7;
	_ =	sdelay $0x1  }
0xa7: {  	s24 =	simm.s32 $0x1B8B  }
0xa8: {  	_ =	swait.ge [sflag:s24], $0x1  }
0xa9: {  	[sflag:s24] =	ssyncset.done $0x0  }
0xaa: {  	s25 =	simm.s32 $0x1B8E;
	[sflag:s24] =	ssyncadd.s32 $0xFFFFFFFF  }
0xab: {  	s26 =	simm.s32 $execute0_lowered;
	[smem:$0x3FD2] =	sst s25  }
0xac: {  	s7 =	sshll.u32 s26, $0x1;
	_ =	strace $0x80000046;
	[dreg:$0x1] =	wrdreg $0xFFFFFFFF  }
0xad: {  	s28 =	simm.s32 $_size_execute0_lowered;
	s6 =	sadd.s32 s6, s7;
	[dreg:$0x0] =	wrdreg $0x0  }
0xae: {  	s7 =	sshll.u32 s28, $0x1;
	[dreg:$0x2] =	wrdreg s6  }
0xaf: {  	[dreg:$0x3] =	wrdreg s7  }
0xb0: {  	[dreg:$0x4] =	wrdreg $0xC0  }
0xb1: {  	_ =	task [dreg:s10], $0x5FFFF  }
0xb2: {  	[dreg:$0x1] =	wrdreg $0xFFFFFFFF  }
0xb3: {  	[dreg:$0x0] =	wrdreg $0x60  }
0xb4: {  	[dreg:$0x2] =	wrdreg s19  }
0xb5: {  	[dreg:$0x3] =	wrdreg s18  }
0xb6: {  	[dreg:$0x4] =	wrdreg s16  }
0xb7: {  	[dreg:$0x5] =	wrdreg s17  }
0xb8: {  	[dreg:$0x6] =	wrdreg $0x9  }
0xb9: {  	_ =	task.clear_ibuf [dreg:s10], $0x7FFFF;
	_ =	strace $0x90000046  }
0xba: {  	s29 =	simm.s32 $0x9;
	_ =	strace $0x80000048  }
0xbb: {  	_ =	swait.ge [sflag:s29], $0x1  }
0xbc: {  	[sflag:s29] =	ssyncadd.s32 $0xFFFFFFFF  }
0xbd: {  	_ =	strace $0x90000048  }
0xbe: {  	_ =	sfence  }
0xbf: {  	s30 =	sld [smem:$0x0];
	_ =	sdelay $0x2  }
0xc0: {  	s31 =	sshll.u32 s1, $0xD;
	s1 =	sshrl.u32 s1, $0x2  }
0xc1: {  	s3 =	sand.u32 $0x4000, s31;
	s1 =	sadd.s32 s1, s30  }
0xc2: {  	s0 =	sor.u32 s3, s0;
	s1 =	sshll.u32 s1, $0x11  }
0xc3: {  	s0 =	sor.u32 s1, s0  }
0xc4: {  	s0 =	sadd.s32 $0x8F2B, s0  }
0xc5: {  	[sflag:s0] =	ssyncadd.remote.s32 $0x1  }
0xc6: {  	_ =	sfence.sel $0xFFFF  }
0xc7: {  	[dreg:$0x0] =	wrdreg $0xFFFFFFFF;
	(pc) =	sbr.abs _section_cstart, $3  }
0xc8: {  	[dreg:$0x1] =	wrdreg $0xFFFFFFFF  }
0xc9: {  	_ =	task.clear_ibuf [dreg:s10], $0x2FFFF;
	_ =	strace $0x9FFFFFFF  }
0xca: {  	(tm) =	ssettm $0x7FFFFFFF  }
0xcb: {  	_ =	shalt  }
tec
execute0_lowered:
.L_overlay_start_1:
0x0: {  	(tag) =	ssettag $0x1  }
0x1: {  	s9 =	rddreg [dreg:$0x0]  }
0x2: {  	s4 =	rddreg [dreg:$0x1]  }
0x3: {  	s2 =	rddreg [dreg:$0x2]  }
0x4: {  	s11 =	rddreg [dreg:$0x3];
	s3 =	srdreg.scid  }
0x5: {  	s0 =	rddreg [dreg:$0x4];
	s1 =	stileid.u32;
	s12 =	sand.u32 $0x1, s3  }
0x6: {  	s3 =	simm.s32 $0x0;
	s5 =	sshll.u32 s1, $0x3;
	s6 =	sshll.u32 s12, $0x2  }
0x7: {  	[smem:$0x7FF] =	sst s3;
	s13 =	sor.u32 s6, s5  }
0x8: {  	_ =	strace $0x80000047;
	s5 =	sadd.s32 s4, s13;
	s4 =	simm.s32 $0x2  }
0x9: {  	[tilespmem:s3], [sflag:$0x2] =	stream.linear.gather [hbm4b:s5+s3], $0x20, $0x38;
	[tilespmem:$0x200] =	vst v63  }
0xa: {  	_ =	swait.ge [sflag:s4], $0x20  }
0xb: {  	s7 =	simm.s32 $0x100;
	[sflag:s4] =	ssyncset.done $0x0  }
0xc: {  	s8 =	simm.s32 $0x1;
	s6 =	simm.s32 $0x20;
	[sflag:s4] =	ssyncadd.s32 $0xFFFFFFE0  }
0xd: {  	[tilespmem:s7], [sflag:$0x1] =	stream.indirect.gather [hbm4b:s2+s6], $0x1, s3, s6, $0xb8;
	[tilespmem:$0x200] =	vst v63  }
0xe: {  	_ =	swait.ge [sflag:s8], $0x20  }
0xf: {  	[sflag:s8] =	ssyncset.done $0x0  }
0x10: {  	s10 =	simm.s32 $0x80;
	s9 =	sadd.s32 s9, s13;
	[sflag:s8] =	ssyncadd.s32 $0xFFFFFFE0  }
0x11: {  	[tilespmem:s10], [sflag:$0x2] =	stream.linear.gather [hbm4b:s9+s3], $0x20, $0x38;
	[tilespmem:$0x200] =	vst v63  }
0x12: {  	_ =	swait.ge [sflag:s4], $0x20  }
0x13: {  	[sflag:s4] =	ssyncset.done $0x0  }
0x14: {  	[sflag:s4] =	ssyncadd.s32 $0xFFFFFFE0  }
0x15: {  	v0 =	vld [tilespmem:$0x100]  }
0x16: {  	v1 =	vld [tilespmem:$0x110]  }
0x17: {  	s12 =	ssub.s32 $0x2, s12;
	v2 =	vld [tilespmem:$0x80]  }
0x18: {  	s14 =	sshrl.u32 s12, $0x1;
	v3 =	vld [tilespmem:$0x90]  }
0x19: {  	s12 =	ssub.s32 s12, s14  }
0x1a: {  	s31 =	smax.u32 s12, $0x1;
	v0 =	vmul.f32 v0, v0  }
0x1b: {  	p0 =	sne.s32 s31, $0x1;
	v1 =	vmul.f32 v1, v1  }
.Ltmp0:
0x1c: {  	v0 =	vsub.f32 v2, v0;
	(pc) =	sbr.rel @!p0 .LBB2_2-.Ltmp0, $4  }
0x1d: {  	v1 =	vsub.f32 v3, v1  }
0x1e: {  	[tilespmem:$0x180] =	vst v0  }
0x1f: {  	s11 =	sadd.s32 s11, s13;
	s12 =	simm.s32 $0x180;
	s13 =	sadd.s32 $0xFFFFFFFF, s31;
	[tilespmem:$0x190] =	vst v1  }
0x20: {  	[hbm4b:s11+s3] =	stream.linear.scatter [tilespmem:s12], [sflag:$0x2], $0x20, $0x38;
	[tilespmem:$0x200] =	vst v63  }
.LBB2_1:
0x21: {  	p0 =	sne.s32 s13, $0x1;
	s13 =	sadd.s32 $0xFFFFFFFF, s13;
	_ =	swait.ge [sflag:s4], $0x20  }
0x22: {  	[sflag:s4] =	ssyncset.done $0x0  }
0x23: {  	[sflag:s4] =	ssyncadd.s32 $0xFFFFFFE0  }
0x24: {  	[tilespmem:s3], [sflag:$0x2] =	stream.linear.gather [hbm4b:s5+s3], $0x20, $0x38;
	[tilespmem:$0x200] =	vst v63  }
0x25: {  	_ =	swait.ge [sflag:s4], $0x20  }
0x26: {  	[sflag:s4] =	ssyncset.done $0x0  }
0x27: {  	[sflag:s4] =	ssyncadd.s32 $0xFFFFFFE0  }
0x28: {  	[tilespmem:s7], [sflag:$0x1] =	stream.indirect.gather [hbm4b:s2+s6], $0x1, s3, s6, $0xb8;
	[tilespmem:$0x200] =	vst v63  }
0x29: {  	_ =	swait.ge [sflag:s8], $0x20  }
0x2a: {  	[sflag:s8] =	ssyncset.done $0x0  }
0x2b: {  	[sflag:s8] =	ssyncadd.s32 $0xFFFFFFE0  }
0x2c: {  	[tilespmem:s10], [sflag:$0x2] =	stream.linear.gather [hbm4b:s9+s3], $0x20, $0x38;
	[tilespmem:$0x200] =	vst v63  }
0x2d: {  	_ =	swait.ge [sflag:s4], $0x20  }
0x2e: {  	[sflag:s4] =	ssyncset.done $0x0  }
0x2f: {  	[sflag:s4] =	ssyncadd.s32 $0xFFFFFFE0  }
0x30: {  	v0 =	vld [tilespmem:$0x100]  }
0x31: {  	v1 =	vld [tilespmem:$0x110]  }
0x32: {  	v2 =	vld [tilespmem:$0x80]  }
0x33: {  	v3 =	vld [tilespmem:$0x90];
	_ =	sdelay $0x1  }
0x34: {  	v0 =	vmul.f32 v0, v0  }
0x35: {  	v1 =	vmul.f32 v1, v1  }
.Ltmp1:
0x36: {  	v0 =	vsub.f32 v2, v0;
	(pc) =	sbr.rel @p0 .LBB2_1-.Ltmp1, $4  }
0x37: {  	v1 =	vsub.f32 v3, v1  }
0x38: {  	[tilespmem:$0x180] =	vst v0  }
0x39: {  	[tilespmem:$0x190] =	vst v1  }
0x3a: {  	[hbm4b:s11+s3] =	stream.linear.scatter [tilespmem:s12], [sflag:$0x2], $0x20, $0x38;
	[tilespmem:$0x200] =	vst v63  }
.LBB2_2:
0x3b: {  	_ =	swait.ge [sflag:s4], $0x20  }
0x3c: {  	[sflag:s4] =	ssyncset.done $0x0  }
0x3d: {  	[sflag:s4] =	ssyncadd.s32 $0xFFFFFFE0  }
0x3e: {  	_ =	sfence.sel $0x180000  }
0x3f: {  	[bflag:$0x0] =	sbarrier.arrive $0xFFFF  }
0x40: {  	p0 =	sne.s32 s1, $0x0;
	_ =	strace $0x90000047  }
0x41: {  	s0 =	sadd.s32 @!p0 $0x100000, s0;
	[bflag:$0x2] =	sbarrier.arrive $0xFFFF  }
0x42: {  	[sflag:s0] =	ssyncadd.tile.s32 @!p0 $0x1;
	_ =	shalt  }
.Lfunc_end2:
_tile_overlayer_lowered:
.L_overlay_start_2:
0x43: {  	(tag) =	ssettag $0x2  }
0x44: {  	s0 =	rddreg [dreg:$0x0];
	s2 =	stileid.u32  }
0x45: {  	s1 =	rddreg [dreg:$0x1];
	p0 =	sne.s32 s2, $0x0  }
0x46: {  	s3 =	rddreg [dreg:$0x2];
	[bflag:$0x3] =	sbarrier.arrive $0xFFFF;
	s2 =	simm.s32 @!p0 $0x1C02  }
0x47: {  	[timem:s3], [sflag:s2] =	dma.local @!p0 [hbm:s0], s1  }
0x48: {  	s0 =	simm.s32 @!p0 $0x2  }
0x49: {  	_ =	swait.ge @!p0 [sflag:s0], s1  }
0x4a: {  	s1 =	ssub.s32 @!p0 $0x0, s1;
	[sflag:s0] =	ssyncset.done @!p0 $0x0  }
0x4b: {  	[sflag:s0] =	ssyncadd.s32 @!p0 s1  }
0x4c: {  	[bflag:$0x3] =	sbarrier.arrive $0xFFFF  }
0x4d: {  	_ =	shalt  }

</sc_bundles>
